<compile_context>
chip_gen: v7x
topology: tpu7x:2x2x1
jax: 0.10.2.dev20260603
libtpu: 0.0.44.dev20260713+nightly
codegen_flags: <defaults>
</compile_context>

<pallas_src>
import functools

import jax
import jax.numpy as jnp
from jax import lax
from jax.experimental import pallas as pl
from jax.experimental.pallas import tpu as pltpu
from jax.experimental.pallas import tpu_sc as plsc

NC = 2
NS = 16
NW = NC * NS
CH = 128


@functools.partial(jax.jit, static_argnums=(2,))
def _sc_segment_sum(x, idxr, n_pad):
    ncw = idxr.shape[1]
    d = x.shape[1]
    rpt = n_pad // NS

    mesh = plsc.VectorSubcoreMesh(core_axis_name="c", subcore_axis_name="s",
                                  num_cores=NC, num_subcores=NS)

    @functools.partial(
        pl.kernel,
        out_type=jax.ShapeDtypeStruct((NC, n_pad, d), jnp.float32),
        mesh=mesh,
        scratch_types=[
            pltpu.VMEM((2, CH), jnp.int32),
            pltpu.VMEM((2, CH), jnp.int32),
            pltpu.VMEM((CH, d), jnp.float32),
            pltpu.VMEM((CH, d), jnp.float32),
            pltpu.VMEM_SHARED((n_pad, d), jnp.float32),
            pltpu.SemaphoreType.DMA,
            pltpu.SemaphoreType.DMA,
        ],
        compiler_params=pltpu.CompilerParams(
            use_tc_tiling_on_sc=False if d < 128 else None),
    )
    def seg(x_hbm, idx_hbm, out_hbm, idx_a, idx_b, rows_v, rows_w,
            acc_sh, sem, sem_b):
        c = lax.axis_index("c")
        s = lax.axis_index("s")
        w = c * NS + s

        zv = jnp.zeros((16,), jnp.float32)

        def zrow(i, _):
            for j in range(d // 16):
                rows_v[i, pl.ds(j * 16, 16)] = zv
            return 0

        lax.fori_loop(0, CH, zrow, 0)
        n_full = rpt // CH
        rem = rpt - n_full * CH
        for k in range(n_full):
            pltpu.sync_copy(rows_v, acc_sh.at[pl.ds(s * rpt + k * CH, CH)])
        if rem:
            pltpu.sync_copy(rows_v.at[pl.ds(0, rem)],
                            acc_sh.at[pl.ds(s * rpt + n_full * CH, rem)])
        plsc.subcore_barrier()

        pltpu.sync_copy(idx_hbm.at[w, 0], idx_a)
        pltpu.async_copy(x_hbm.at[idx_a.at[0]], rows_v, sem)

        def body(k, _):
            j0 = 2 * k
            pltpu.sync_copy(idx_hbm.at[w, j0 + 1], idx_b)
            pltpu.async_copy(x_hbm.at[idx_b.at[0]], rows_w, sem_b)
            pltpu.make_async_copy(x_hbm.at[idx_a.at[0]], rows_v, sem).wait()
            pltpu.sync_copy(rows_v, acc_sh.at[idx_a.at[1]], add=True)

            @pl.when(j0 + 2 < ncw)
            def _():
                pltpu.sync_copy(idx_hbm.at[w, j0 + 2], idx_a)
                pltpu.async_copy(x_hbm.at[idx_a.at[0]], rows_v, sem)

            pltpu.make_async_copy(x_hbm.at[idx_b.at[0]], rows_w, sem_b).wait()
            pltpu.sync_copy(rows_w, acc_sh.at[idx_b.at[1]], add=True)
            return 0

        lax.fori_loop(0, ncw // 2, body, 0)
        plsc.subcore_barrier()

        pltpu.sync_copy(acc_sh.at[pl.ds(s * rpt, rpt)],
                        out_hbm.at[c, pl.ds(s * rpt, rpt)])

    return seg(x, idxr)


_DOT = dict(preferred_element_type=jnp.float32, precision=lax.Precision.HIGHEST)


def _bf_rne(x):
    u = lax.bitcast_convert_type(x, jnp.uint32)
    r = ((u >> 16) & 1) + jnp.uint32(0x7FFF)
    return lax.bitcast_convert_type((u + r) & jnp.uint32(0xFFFF0000),
                                    jnp.float32)


def _l1_body(p_ref, w_ref, e6_ref, b_ref, x_ref, inv_ref):
    p = p_ref[0] + p_ref[1]
    y = jnp.dot(p, w_ref[...], **_DOT)
    cnt = jnp.dot(p, e6_ref[...], **_DOT)
    inv = 1.0 / jnp.maximum(cnt, 1.0)
    x_ref[...] = _bf_rne(jnp.maximum(y * inv + b_ref[...], 0.0))
    inv_ref[...] = inv


def _lmid_body(p_ref, inv_ref, w_ref, b_ref, x_ref):
    agg = (p_ref[0] + p_ref[1]) * inv_ref[...]
    y = jnp.dot(agg, w_ref[...], **_DOT) + b_ref[...]
    x_ref[...] = _bf_rne(jnp.maximum(y, 0.0))


def _l4_body(p_ref, inv_ref, w_ref, b_ref, wl_ref, bl_ref, o_ref):
    agg = (p_ref[0] + p_ref[1]) * inv_ref[...]
    x4 = jnp.maximum(jnp.dot(agg, w_ref[...], **_DOT) + b_ref[...], 0.0)
    o_ref[...] = jnp.dot(_bf_rne(x4), wl_ref[...], **_DOT) + bl_ref[...]


def _tc_call(body, partials, extras, n_out, grid_n=4):
    n_pad, din = partials.shape[1], partials.shape[2]
    br = n_pad // grid_n
    in_specs = [pl.BlockSpec((NC, br, din), lambda i: (0, i, 0))]
    for e in extras:
        if e.shape[0] == n_pad:
            in_specs.append(pl.BlockSpec((br, e.shape[1]), lambda i: (i, 0)))
        else:
            in_specs.append(pl.BlockSpec(e.shape, lambda i: (0, 0)))
    out_shape = [jax.ShapeDtypeStruct((n_pad, 128), jnp.float32)
                 for _ in range(n_out)]
    out_specs = [pl.BlockSpec((br, 128), lambda i: (i, 0)) for _ in range(n_out)]
    res = pl.pallas_call(
        body,
        grid=(grid_n,),
        in_specs=in_specs,
        out_specs=out_specs if n_out > 1 else out_specs[0],
        out_shape=out_shape if n_out > 1 else out_shape[0],
    )(partials, *extras)
    return res


def kernel(pos, norm, edge_index, W1, u1, c1, b1, W2, u2, c2, b2,
           W3, u3, c3, b3, W4, u4, c4, b4, Wl, bl):
    n = pos.shape[0]
    e = edge_index.shape[1]
    f32 = jnp.float32
    n_pad = ((n + 16) + 127) // 128 * 128

    x0 = jnp.concatenate(
        [_bf_rne(pos), _bf_rne(norm), jnp.ones((n, 1), f32), jnp.zeros((n, 9), f32)],
        axis=1)

    n_ch = (e + CH - 1) // CH
    n_ch_p = (n_ch + 2 * NW - 1) // (2 * NW) * (2 * NW)
    ep = n_ch_p * CH
    pad = ep - e
    src = edge_index[0]
    dst = edge_index[1]
    if pad:
        ar = jnp.arange(pad, dtype=jnp.int32)
        src = jnp.concatenate([src, (ar * 97) % n])
        dst = jnp.concatenate([dst, n + (ar % 16)])
    ncw = n_ch_p // NW
    idxr = jnp.stack([src.reshape(NW, ncw, CH), dst.reshape(NW, ncw, CH)],
                     axis=2)

    w1p = jnp.zeros((16, 128), f32).at[:6, :].set(_bf_rne(W1))
    e6 = jnp.zeros((16, 128), f32).at[6, :].set(1.0)
    p1 = _sc_segment_sum(x0, idxr, n_pad)
    x1, inv = _tc_call(_l1_body, p1, [w1p, e6, b1.reshape(1, 128)], 2)

    x2 = _tc_call(_lmid_body, _sc_segment_sum(x1, idxr, n_pad),
                  [inv, _bf_rne(W2), b2.reshape(1, 128)], 1)
    x3 = _tc_call(_lmid_body, _sc_segment_sum(x2, idxr, n_pad),
                  [inv, _bf_rne(W3), b3.reshape(1, 128)], 1)

    wlp = jnp.zeros((128, 128), f32).at[:, :3].set(_bf_rne(Wl))
    blp = jnp.zeros((1, 128), f32).at[0, :3].set(bl)
    out = _tc_call(_l4_body, _sc_segment_sum(x3, idxr, n_pad),
                   [inv, _bf_rne(W4), b4.reshape(1, 128), wlp, blp], 1)
    return out[:n, :3]

# --- scband reference (transcript-rebuilt; emitter-appended) ---
"""Pipeline reference for scband-gcn-69114613729821 (READ-ONLY COPY).

The authoritative reference and input builder live on the scoring server;
editing this copy changes nothing except your own understanding.
"""

import jax, jax.numpy as jnp
import numpy as np

N = 10000
E = 320000

def _feast(x, src, dst, W, u, c, b):
    # FeaStConv (PyG): q = softmax((x_j - x_i) @ u + c) over heads; msg = sum_h q_h * (x_j W)_h; mean-aggregate at dst; + bias
    heads = u.shape[1]
    out_ch = W.shape[1] // heads
    x_i = x[dst]
    x_j = x[src]
    q = jax.nn.softmax((x_j - x_i) @ u + c, axis=-1)
    m = (x_j @ W).reshape(-1, heads, out_ch)
    m = (m * q[:, :, None]).sum(axis=1)
    num = jax.ops.segment_sum(m, dst, num_segments=x.shape[0])
    cnt = jax.ops.segment_sum(jnp.ones((dst.shape[0],), m.dtype), dst, num_segments=x.shape[0])
    return num / jnp.maximum(cnt, 1.0)[:, None] + b

def setup_inputs(seed: int = 0):
    key = jax.random.key(seed)
    ki = iter(list(jax.random.split(key, 32)))
    inp = {}
    inp["pos"] = jax.random.normal(next(ki), (N, 3), dtype=jnp.float32)
    inp["norm"] = jax.random.normal(next(ki), (N, 3), dtype=jnp.float32)
    inp["edge_index"] = jax.random.randint(next(ki), (2, E), 0, N, dtype=jnp.int32)
    dims = [(6, 128), (128, 128), (128, 128), (128, 128)]
    for i, (din, dout) in enumerate(dims, 1):
        inp["W%d" % i] = jax.random.normal(next(ki), (din, dout), dtype=jnp.float32) * 0.1
        inp["u%d" % i] = jax.random.normal(next(ki), (din, 1), dtype=jnp.float32) * 0.1
        inp["c%d" % i] = jax.random.normal(next(ki), (1,), dtype=jnp.float32) * 0.1
        inp["b%d" % i] = jnp.zeros((dout,), dtype=jnp.float32)
    inp["Wl"] = jax.random.normal(next(ki), (128, 3), dtype=jnp.float32) * 0.1
    inp["bl"] = jnp.zeros((3,), dtype=jnp.float32)
    return inp

def reference(pos, norm, edge_index, W1, u1, c1, b1, W2, u2, c2, b2, W3, u3, c3, b3, W4, u4, c4, b4, Wl, bl):
    src = edge_index[0]
    dst = edge_index[1]
    x = jnp.concatenate([pos, norm], axis=1)
    x = jax.nn.relu(_feast(x, src, dst, W1, u1, c1, b1))
    x = jax.nn.relu(_feast(x, src, dst, W2, u2, c2, b2))
    x = jax.nn.relu(_feast(x, src, dst, W3, u3, c3, b3))
    x = jax.nn.relu(_feast(x, src, dst, W4, u4, c4, b4))
    return x @ Wl + bl

if __name__ == "__main__":
    import jax
    _d = setup_inputs()
    print(jax.jit(kernel)(*tuple(_d.values())))

</pallas_src>

<mosaic_0001>
#map = affine_map<(d0, d1) -> (0, 0)>
#map1 = affine_map<(d0, d1) -> (0, 0, 0, 0)>
#map2 = affine_map<(d0, d1) -> (0, 0, 0)>
module attributes {stable_mosaic.version = 14 : i64} {
  func.func @seg(%arg0: i32, %arg1: i32, %arg2: memref<10000x16xf32, #tpu.memory_space<hbm>>, %arg3: memref<32x80x2x128xi32, #tpu.memory_space<hbm>>, %arg4: memref<2x10112x16xf32, #tpu.memory_space<hbm>>, %arg5: memref<2x128xi32, #tpu.memory_space<vmem>>, %arg6: memref<2x128xi32, #tpu.memory_space<vmem>>, %arg7: memref<128x16xf32, #tpu.memory_space<vmem>>, %arg8: memref<128x16xf32, #tpu.memory_space<vmem>>, %arg9: memref<10112x16xf32, #tpu.memory_space<vmem_shared>>, %arg10: memref<!tpu.dma_semaphore, #tpu.memory_space<semaphore_mem>>, %arg11: memref<!tpu.dma_semaphore, #tpu.memory_space<semaphore_mem>>) attributes {dimension_semantics = [#tpu.dimension_semantics<core_parallel>, #tpu.dimension_semantics<subcore_parallel>], iteration_bounds = array<i64: 2, 16>, scalar_prefetch = 0 : i64, scratch_operands = 7 : i64, tpu.core_type = #tpu.core_type<sc_vector_subcore>, window_params = [{transform_indices = #map}, {transform_indices = #map1}, {transform_indices = #map2}]} {
    %mul3A = arith.constant 16 : i32
    %mul3A_0 = arith.muli %arg0, %mul3A : i32
    %add3A = arith.addi %mul3A_0, %arg1 : i32
    %broadcast_in_dim3A = arith.constant 0.000000e+00 : f32
    %broadcast_in_dim3A_1 = vector.broadcast %broadcast_in_dim3A : f32 to vector<16xf32>
    %scan3A = arith.constant 0 : i32
    %scan3A_2 = arith.constant 0 : i32
    %scan3A_3 = arith.constant 128 : i32
    %scan3A_4 = arith.addi %scan3A_2, %scan3A_3 : i32
    %scan3A_5 = arith.constant 1 : i32
    %scan3A_6 = scf.for %scan3A_46 = %scan3A_2 to %scan3A_4 step %scan3A_5 iter_args(%scan3A_47 = %scan3A) -> (i32)  : i32 {
      %swap3A = arith.index_cast %scan3A_46 : i32 to index
      %swap3A_48 = arith.constant 0 : index
      %swap3A_49 = tpu.vector_load %arg7[%swap3A, %swap3A_48] {strides = array<i32>} : memref<128x16xf32, #tpu.memory_space<vmem>>, vector<1x16xf32>,
      %swap3A_50 = vector.shape_cast %swap3A_49 : vector<1x16xf32> to vector<16xf32>
      %swap3A_51 = vector.shape_cast %broadcast_in_dim3A_1 : vector<16xf32> to vector<1x16xf32>
      tpu.vector_store %arg7[%swap3A, %swap3A_48], %swap3A_51 {strides = array<i32>} : memref<128x16xf32, #tpu.memory_space<vmem>>, vector<1x16xf32>,
      %scan3A_52 = arith.constant 0 : i32
      scf.yield %scan3A_52 : i32
    }
    %scan3A_7 = arith.constant 128 : i32
    %mul3A_8 = arith.constant 632 : i32
    %mul3A_9 = arith.muli %arg1, %mul3A_8 : i32
    %add3A_10 = arith.constant 0 : i32
    %add3A_11 = arith.addi %mul3A_9, %add3A_10 : i32
    "tpu.region"() ({
      %run_scoped3A_46 = tpu.sem_alloc : memref<!tpu.dma_semaphore, #tpu.memory_space<semaphore_mem>>
      %dma_start3A_47 = arith.constant 0 : i32
      %dma_start3A_48 = tpu.memref_slice %arg9[%add3A_11, %dma_start3A_47] : memref<10112x16xf32, #tpu.memory_space<vmem_shared>> -> memref<128x16xf32, #tpu.memory_space<vmem_shared>>
      %dma_start3A_49 = arith.constant 0 : i32
      %dma_start3A_50 = tpu.memref_slice %arg9[%add3A_11, %dma_start3A_49] : memref<10112x16xf32, #tpu.memory_space<vmem_shared>> -> memref<128x16xf32, #tpu.memory_space<vmem_shared>>
      tpu.enqueue_dma source(%arg7 : memref<128x16xf32, #tpu.memory_space<vmem>>) target(%dma_start3A_50 : memref<128x16xf32, #tpu.memory_space<vmem_shared>>) target_semaphore(%run_scoped3A_46 : memref<!tpu.dma_semaphore, #tpu.memory_space<semaphore_mem>>)
      %dma_wait3A = arith.constant 0 : i32
      %dma_wait3A_51 = tpu.memref_slice %arg9[%add3A_11, %dma_wait3A] : memref<10112x16xf32, #tpu.memory_space<vmem_shared>> -> memref<128x16xf32, #tpu.memory_space<vmem_shared>>
      %dma_wait3A_52 = arith.constant 0 : i32
      %dma_wait3A_53 = tpu.memref_slice %arg9[%add3A_11, %dma_wait3A_52] : memref<10112x16xf32, #tpu.memory_space<vmem_shared>> -> memref<128x16xf32, #tpu.memory_space<vmem_shared>>
      tpu.wait_dma2 semaphore(%run_scoped3A_46 : memref<!tpu.dma_semaphore, #tpu.memory_space<semaphore_mem>>) src(%arg7 : memref<128x16xf32, #tpu.memory_space<vmem>>) dst(%dma_wait3A_53 : memref<128x16xf32, #tpu.memory_space<vmem_shared>>)
      tpu.yield
    }) : () -> ()
    %mul3A_12 = arith.constant 632 : i32
    %mul3A_13 = arith.muli %arg1, %mul3A_12 : i32
    %add3A_14 = arith.constant 128 : i32
    %add3A_15 = arith.addi %mul3A_13, %add3A_14 : i32
    "tpu.region"() ({
      %run_scoped3A_46 = tpu.sem_alloc : memref<!tpu.dma_semaphore, #tpu.memory_space<semaphore_mem>>
      %dma_start3A_47 = arith.constant 0 : i32
      %dma_start3A_48 = tpu.memref_slice %arg9[%add3A_15, %dma_start3A_47] : memref<10112x16xf32, #tpu.memory_space<vmem_shared>> -> memref<128x16xf32, #tpu.memory_space<vmem_shared>>
      %dma_start3A_49 = arith.constant 0 : i32
      %dma_start3A_50 = tpu.memref_slice %arg9[%add3A_15, %dma_start3A_49] : memref<10112x16xf32, #tpu.memory_space<vmem_shared>> -> memref<128x16xf32, #tpu.memory_space<vmem_shared>>
      tpu.enqueue_dma source(%arg7 : memref<128x16xf32, #tpu.memory_space<vmem>>) target(%dma_start3A_50 : memref<128x16xf32, #tpu.memory_space<vmem_shared>>) target_semaphore(%run_scoped3A_46 : memref<!tpu.dma_semaphore, #tpu.memory_space<semaphore_mem>>)
      %dma_wait3A = arith.constant 0 : i32
      %dma_wait3A_51 = tpu.memref_slice %arg9[%add3A_15, %dma_wait3A] : memref<10112x16xf32, #tpu.memory_space<vmem_shared>> -> memref<128x16xf32, #tpu.memory_space<vmem_shared>>
      %dma_wait3A_52 = arith.constant 0 : i32
      %dma_wait3A_53 = tpu.memref_slice %arg9[%add3A_15, %dma_wait3A_52] : memref<10112x16xf32, #tpu.memory_space<vmem_shared>> -> memref<128x16xf32, #tpu.memory_space<vmem_shared>>
      tpu.wait_dma2 semaphore(%run_scoped3A_46 : memref<!tpu.dma_semaphore, #tpu.memory_space<semaphore_mem>>) src(%arg7 : memref<128x16xf32, #tpu.memory_space<vmem>>) dst(%dma_wait3A_53 : memref<128x16xf32, #tpu.memory_space<vmem_shared>>)
      tpu.yield
    }) : () -> ()
    %mul3A_16 = arith.constant 632 : i32
    %mul3A_17 = arith.muli %arg1, %mul3A_16 : i32
    %add3A_18 = arith.constant 256 : i32
    %add3A_19 = arith.addi %mul3A_17, %add3A_18 : i32
    "tpu.region"() ({
      %run_scoped3A_46 = tpu.sem_alloc : memref<!tpu.dma_semaphore, #tpu.memory_space<semaphore_mem>>
      %dma_start3A_47 = arith.constant 0 : i32
      %dma_start3A_48 = tpu.memref_slice %arg9[%add3A_19, %dma_start3A_47] : memref<10112x16xf32, #tpu.memory_space<vmem_shared>> -> memref<128x16xf32, #tpu.memory_space<vmem_shared>>
      %dma_start3A_49 = arith.constant 0 : i32
      %dma_start3A_50 = tpu.memref_slice %arg9[%add3A_19, %dma_start3A_49] : memref<10112x16xf32, #tpu.memory_space<vmem_shared>> -> memref<128x16xf32, #tpu.memory_space<vmem_shared>>
      tpu.enqueue_dma source(%arg7 : memref<128x16xf32, #tpu.memory_space<vmem>>) target(%dma_start3A_50 : memref<128x16xf32, #tpu.memory_space<vmem_shared>>) target_semaphore(%run_scoped3A_46 : memref<!tpu.dma_semaphore, #tpu.memory_space<semaphore_mem>>)
      %dma_wait3A = arith.constant 0 : i32
      %dma_wait3A_51 = tpu.memref_slice %arg9[%add3A_19, %dma_wait3A] : memref<10112x16xf32, #tpu.memory_space<vmem_shared>> -> memref<128x16xf32, #tpu.memory_space<vmem_shared>>
      %dma_wait3A_52 = arith.constant 0 : i32
      %dma_wait3A_53 = tpu.memref_slice %arg9[%add3A_19, %dma_wait3A_52] : memref<10112x16xf32, #tpu.memory_space<vmem_shared>> -> memref<128x16xf32, #tpu.memory_space<vmem_shared>>
      tpu.wait_dma2 semaphore(%run_scoped3A_46 : memref<!tpu.dma_semaphore, #tpu.memory_space<semaphore_mem>>) src(%arg7 : memref<128x16xf32, #tpu.memory_space<vmem>>) dst(%dma_wait3A_53 : memref<128x16xf32, #tpu.memory_space<vmem_shared>>)
      tpu.yield
    }) : () -> ()
    %mul3A_20 = arith.constant 632 : i32
    %mul3A_21 = arith.muli %arg1, %mul3A_20 : i32
    %add3A_22 = arith.constant 384 : i32
    %add3A_23 = arith.addi %mul3A_21, %add3A_22 : i32
    "tpu.region"() ({
      %run_scoped3A_46 = tpu.sem_alloc : memref<!tpu.dma_semaphore, #tpu.memory_space<semaphore_mem>>
      %dma_start3A_47 = arith.constant 0 : i32
      %dma_start3A_48 = tpu.memref_slice %arg9[%add3A_23, %dma_start3A_47] : memref<10112x16xf32, #tpu.memory_space<vmem_shared>> -> memref<128x16xf32, #tpu.memory_space<vmem_shared>>
      %dma_start3A_49 = arith.constant 0 : i32
      %dma_start3A_50 = tpu.memref_slice %arg9[%add3A_23, %dma_start3A_49] : memref<10112x16xf32, #tpu.memory_space<vmem_shared>> -> memref<128x16xf32, #tpu.memory_space<vmem_shared>>
      tpu.enqueue_dma source(%arg7 : memref<128x16xf32, #tpu.memory_space<vmem>>) target(%dma_start3A_50 : memref<128x16xf32, #tpu.memory_space<vmem_shared>>) target_semaphore(%run_scoped3A_46 : memref<!tpu.dma_semaphore, #tpu.memory_space<semaphore_mem>>)
      %dma_wait3A = arith.constant 0 : i32
      %dma_wait3A_51 = tpu.memref_slice %arg9[%add3A_23, %dma_wait3A] : memref<10112x16xf32, #tpu.memory_space<vmem_shared>> -> memref<128x16xf32, #tpu.memory_space<vmem_shared>>
      %dma_wait3A_52 = arith.constant 0 : i32
      %dma_wait3A_53 = tpu.memref_slice %arg9[%add3A_23, %dma_wait3A_52] : memref<10112x16xf32, #tpu.memory_space<vmem_shared>> -> memref<128x16xf32, #tpu.memory_space<vmem_shared>>
      tpu.wait_dma2 semaphore(%run_scoped3A_46 : memref<!tpu.dma_semaphore, #tpu.memory_space<semaphore_mem>>) src(%arg7 : memref<128x16xf32, #tpu.memory_space<vmem>>) dst(%dma_wait3A_53 : memref<128x16xf32, #tpu.memory_space<vmem_shared>>)
      tpu.yield
    }) : () -> ()
    %mul3A_24 = arith.constant 632 : i32
    %mul3A_25 = arith.muli %arg1, %mul3A_24 : i32
    %add3A_26 = arith.constant 512 : i32
    %add3A_27 = arith.addi %mul3A_25, %add3A_26 : i32
    "tpu.region"() ({
      %run_scoped3A_46 = tpu.sem_alloc : memref<!tpu.dma_semaphore, #tpu.memory_space<semaphore_mem>>
      %dma_start3A_47 = arith.constant 0 : i32
      %dma_start3A_48 = arith.constant 0 : i32
      %dma_start3A_49 = tpu.memref_slice %arg7[%dma_start3A_47, %dma_start3A_48] : memref<128x16xf32, #tpu.memory_space<vmem>> -> memref<120x16xf32, #tpu.memory_space<vmem>>
      %dma_start3A_50 = arith.constant 0 : i32
      %dma_start3A_51 = tpu.memref_slice %arg9[%add3A_27, %dma_start3A_50] : memref<10112x16xf32, #tpu.memory_space<vmem_shared>> -> memref<120x16xf32, #tpu.memory_space<vmem_shared>>
      %dma_start3A_52 = arith.constant 0 : i32
      %dma_start3A_53 = tpu.memref_slice %arg9[%add3A_27, %dma_start3A_52] : memref<10112x16xf32, #tpu.memory_space<vmem_shared>> -> memref<120x16xf32, #tpu.memory_space<vmem_shared>>
      %dma_start3A_54 = arith.constant 0 : i32
      %dma_start3A_55 = arith.constant 0 : i32
      %dma_start3A_56 = tpu.memref_slice %arg7[%dma_start3A_54, %dma_start3A_55] : memref<128x16xf32, #tpu.memory_space<vmem>> -> memref<120x16xf32, #tpu.memory_space<vmem>>
      tpu.enqueue_dma source(%dma_start3A_56 : memref<120x16xf32, #tpu.memory_space<vmem>>) target(%dma_start3A_53 : memref<120x16xf32, #tpu.memory_space<vmem_shared>>) target_semaphore(%run_scoped3A_46 : memref<!tpu.dma_semaphore, #tpu.memory_space<semaphore_mem>>)
      %dma_wait3A = arith.constant 0 : i32
      %dma_wait3A_57 = arith.constant 0 : i32
      %dma_wait3A_58 = tpu.memref_slice %arg7[%dma_wait3A, %dma_wait3A_57] : memref<128x16xf32, #tpu.memory_space<vmem>> -> memref<120x16xf32, #tpu.memory_space<vmem>>
      %dma_wait3A_59 = arith.constant 0 : i32
      %dma_wait3A_60 = tpu.memref_slice %arg9[%add3A_27, %dma_wait3A_59] : memref<10112x16xf32, #tpu.memory_space<vmem_shared>> -> memref<120x16xf32, #tpu.memory_space<vmem_shared>>
      %dma_wait3A_61 = arith.constant 0 : i32
      %dma_wait3A_62 = tpu.memref_slice %arg9[%add3A_27, %dma_wait3A_61] : memref<10112x16xf32, #tpu.memory_space<vmem_shared>> -> memref<120x16xf32, #tpu.memory_space<vmem_shared>>
      %dma_wait3A_63 = arith.constant 0 : i32
      %dma_wait3A_64 = arith.constant 0 : i32
      %dma_wait3A_65 = tpu.memref_slice %arg7[%dma_wait3A_63, %dma_wait3A_64] : memref<128x16xf32, #tpu.memory_space<vmem>> -> memref<120x16xf32, #tpu.memory_space<vmem>>
      tpu.wait_dma2 semaphore(%run_scoped3A_46 : memref<!tpu.dma_semaphore, #tpu.memory_space<semaphore_mem>>) src(%dma_wait3A_65 : memref<120x16xf32, #tpu.memory_space<vmem>>) dst(%dma_wait3A_62 : memref<120x16xf32, #tpu.memory_space<vmem_shared>>)
      tpu.yield
    }) : () -> ()
    %barrier3A = arith.constant 0 : index
    tpu.barrier barrier_id(%barrier3A)
    %run_scoped3A = arith.constant 0 : i32
    "tpu.region"() ({
      %run_scoped3A_46 = tpu.sem_alloc : memref<!tpu.dma_semaphore, #tpu.memory_space<semaphore_mem>>
      %dma_start3A_47 = arith.constant 0 : i32
      %dma_start3A_48 = arith.constant 0 : i32
      %dma_start3A_49 = tpu.memref_slice %arg3[%add3A, %run_scoped3A, %dma_start3A_47, %dma_start3A_48] : memref<32x80x2x128xi32, #tpu.memory_space<hbm>> -> memref<1x1x2x128xi32, #tpu.memory_space<hbm>>
      %dma_start3A_50 = tpu.memref_squeeze %dma_start3A_49 : memref<1x1x2x128xi32, #tpu.memory_space<hbm>> -> memref<2x128xi32, #tpu.memory_space<hbm>>
      %dma_start3A_51 = arith.constant 0 : i32
      %dma_start3A_52 = arith.constant 0 : i32
      %dma_start3A_53 = tpu.memref_slice %arg3[%add3A, %run_scoped3A, %dma_start3A_51, %dma_start3A_52] : memref<32x80x2x128xi32, #tpu.memory_space<hbm>> -> memref<1x1x2x128xi32, #tpu.memory_space<hbm>>
      %dma_start3A_54 = tpu.memref_squeeze %dma_start3A_53 : memref<1x1x2x128xi32, #tpu.memory_space<hbm>> -> memref<2x128xi32, #tpu.memory_space<hbm>>
      tpu.enqueue_dma source(%dma_start3A_54 : memref<2x128xi32, #tpu.memory_space<hbm>>) target(%arg5 : memref<2x128xi32, #tpu.memory_space<vmem>>) target_semaphore(%run_scoped3A_46 : memref<!tpu.dma_semaphore, #tpu.memory_space<semaphore_mem>>)
      %dma_wait3A = arith.constant 0 : i32
      %dma_wait3A_55 = arith.constant 0 : i32
      %dma_wait3A_56 = tpu.memref_slice %arg3[%add3A, %run_scoped3A, %dma_wait3A, %dma_wait3A_55] : memref<32x80x2x128xi32, #tpu.memory_space<hbm>> -> memref<1x1x2x128xi32, #tpu.memory_space<hbm>>
      %dma_wait3A_57 = tpu.memref_squeeze %dma_wait3A_56 : memref<1x1x2x128xi32, #tpu.memory_space<hbm>> -> memref<2x128xi32, #tpu.memory_space<hbm>>
      %dma_wait3A_58 = arith.constant 0 : i32
      %dma_wait3A_59 = arith.constant 0 : i32
      %dma_wait3A_60 = tpu.memref_slice %arg3[%add3A, %run_scoped3A, %dma_wait3A_58, %dma_wait3A_59] : memref<32x80x2x128xi32, #tpu.memory_space<hbm>> -> memref<1x1x2x128xi32, #tpu.memory_space<hbm>>
      %dma_wait3A_61 = tpu.memref_squeeze %dma_wait3A_60 : memref<1x1x2x128xi32, #tpu.memory_space<hbm>> -> memref<2x128xi32, #tpu.memory_space<hbm>>
      tpu.wait_dma2 semaphore(%run_scoped3A_46 : memref<!tpu.dma_semaphore, #tpu.memory_space<semaphore_mem>>) src(%dma_wait3A_61 : memref<2x128xi32, #tpu.memory_space<hbm>>) dst(%arg5 : memref<2x128xi32, #tpu.memory_space<vmem>>)
      tpu.yield
    }) : () -> ()
    %dma_start3A = arith.constant 0 : i32
    %dma_start3A_28 = arith.constant 0 : i32
    %dma_start3A_29 = tpu.memref_slice %arg5[%dma_start3A, %dma_start3A_28] : memref<2x128xi32, #tpu.memory_space<vmem>> -> memref<1x128xi32, #tpu.memory_space<vmem>>
    %dma_start3A_30 = tpu.memref_squeeze %dma_start3A_29 : memref<1x128xi32, #tpu.memory_space<vmem>> -> memref<128xi32, #tpu.memory_space<vmem>>
    %dma_start3A_31 = arith.constant 0 : i32
    %dma_start3A_32 = arith.constant 0 : i32
    %dma_start3A_33 = tpu.memref_slice %arg2[%dma_start3A_31, %dma_start3A_32] : memref<10000x16xf32, #tpu.memory_space<hbm>> -> memref<10000x16xf32, #tpu.memory_space<hbm>>
    tpu.enqueue_indirect_dma source(%dma_start3A_33 : memref<10000x16xf32, #tpu.memory_space<hbm>>) target(%arg7 : memref<128x16xf32, #tpu.memory_space<vmem>>) offsets(%dma_start3A_30 : memref<128xi32, #tpu.memory_space<vmem>>) semaphore(%arg10 : memref<!tpu.dma_semaphore, #tpu.memory_space<semaphore_mem>>)
    %scan3A_34 = arith.constant 0 : i32
    %scan3A_35 = arith.constant 0 : i32
    %scan3A_36 = arith.constant 40 : i32
    %scan3A_37 = arith.addi %scan3A_35, %scan3A_36 : i32
    %scan3A_38 = arith.constant 1 : i32
    %scan3A_39 = scf.for %scan3A_46 = %scan3A_35 to %scan3A_37 step %scan3A_38 iter_args(%scan3A_47 = %scan3A_34) -> (i32)  : i32 {
      %mul3A_48 = arith.constant 2 : i32
      %mul3A_49 = arith.muli %mul3A_48, %scan3A_46 : i32
      %add3A_50 = arith.constant 1 : i32
      %add3A_51 = arith.addi %mul3A_49, %add3A_50 : i32
      "tpu.region"() ({
        %run_scoped3A_79 = tpu.sem_alloc : memref<!tpu.dma_semaphore, #tpu.memory_space<semaphore_mem>>
        %dma_start3A_80 = arith.constant 0 : i32
        %dma_start3A_81 = arith.constant 0 : i32
        %dma_start3A_82 = tpu.memref_slice %arg3[%add3A, %add3A_51, %dma_start3A_80, %dma_start3A_81] : memref<32x80x2x128xi32, #tpu.memory_space<hbm>> -> memref<1x1x2x128xi32, #tpu.memory_space<hbm>>
        %dma_start3A_83 = tpu.memref_squeeze %dma_start3A_82 : memref<1x1x2x128xi32, #tpu.memory_space<hbm>> -> memref<2x128xi32, #tpu.memory_space<hbm>>
        %dma_start3A_84 = arith.constant 0 : i32
        %dma_start3A_85 = arith.constant 0 : i32
        %dma_start3A_86 = tpu.memref_slice %arg3[%add3A, %add3A_51, %dma_start3A_84, %dma_start3A_85] : memref<32x80x2x128xi32, #tpu.memory_space<hbm>> -> memref<1x1x2x128xi32, #tpu.memory_space<hbm>>
        %dma_start3A_87 = tpu.memref_squeeze %dma_start3A_86 : memref<1x1x2x128xi32, #tpu.memory_space<hbm>> -> memref<2x128xi32, #tpu.memory_space<hbm>>
        tpu.enqueue_dma source(%dma_start3A_87 : memref<2x128xi32, #tpu.memory_space<hbm>>) target(%arg6 : memref<2x128xi32, #tpu.memory_space<vmem>>) target_semaphore(%run_scoped3A_79 : memref<!tpu.dma_semaphore, #tpu.memory_space<semaphore_mem>>)
        %dma_wait3A_88 = arith.constant 0 : i32
        %dma_wait3A_89 = arith.constant 0 : i32
        %dma_wait3A_90 = tpu.memref_slice %arg3[%add3A, %add3A_51, %dma_wait3A_88, %dma_wait3A_89] : memref<32x80x2x128xi32, #tpu.memory_space<hbm>> -> memref<1x1x2x128xi32, #tpu.memory_space<hbm>>
        %dma_wait3A_91 = tpu.memref_squeeze %dma_wait3A_90 : memref<1x1x2x128xi32, #tpu.memory_space<hbm>> -> memref<2x128xi32, #tpu.memory_space<hbm>>
        %dma_wait3A_92 = arith.constant 0 : i32
        %dma_wait3A_93 = arith.constant 0 : i32
        %dma_wait3A_94 = tpu.memref_slice %arg3[%add3A, %add3A_51, %dma_wait3A_92, %dma_wait3A_93] : memref<32x80x2x128xi32, #tpu.memory_space<hbm>> -> memref<1x1x2x128xi32, #tpu.memory_space<hbm>>
        %dma_wait3A_95 = tpu.memref_squeeze %dma_wait3A_94 : memref<1x1x2x128xi32, #tpu.memory_space<hbm>> -> memref<2x128xi32, #tpu.memory_space<hbm>>
        tpu.wait_dma2 semaphore(%run_scoped3A_79 : memref<!tpu.dma_semaphore, #tpu.memory_space<semaphore_mem>>) src(%dma_wait3A_95 : memref<2x128xi32, #tpu.memory_space<hbm>>) dst(%arg6 : memref<2x128xi32, #tpu.memory_space<vmem>>)
        tpu.yield
      }) : () -> ()
      %dma_start3A_52 = arith.constant 0 : i32
      %dma_start3A_53 = arith.constant 0 : i32
      %dma_start3A_54 = tpu.memref_slice %arg6[%dma_start3A_52, %dma_start3A_53] : memref<2x128xi32, #tpu.memory_space<vmem>> -> memref<1x128xi32, #tpu.memory_space<vmem>>
      %dma_start3A_55 = tpu.memref_squeeze %dma_start3A_54 : memref<1x128xi32, #tpu.memory_space<vmem>> -> memref<128xi32, #tpu.memory_space<vmem>>
      %dma_start3A_56 = arith.constant 0 : i32
      %dma_start3A_57 = arith.constant 0 : i32
      %dma_start3A_58 = tpu.memref_slice %arg2[%dma_start3A_56, %dma_start3A_57] : memref<10000x16xf32, #tpu.memory_space<hbm>> -> memref<10000x16xf32, #tpu.memory_space<hbm>>
      tpu.enqueue_indirect_dma source(%dma_start3A_58 : memref<10000x16xf32, #tpu.memory_space<hbm>>) target(%arg8 : memref<128x16xf32, #tpu.memory_space<vmem>>) offsets(%dma_start3A_55 : memref<128xi32, #tpu.memory_space<vmem>>) semaphore(%arg11 : memref<!tpu.dma_semaphore, #tpu.memory_space<semaphore_mem>>)
      %dma_wait3A = arith.constant 0 : i32
      %dma_wait3A_59 = arith.constant 0 : i32
      %dma_wait3A_60 = tpu.memref_slice %arg5[%dma_wait3A, %dma_wait3A_59] : memref<2x128xi32, #tpu.memory_space<vmem>> -> memref<1x128xi32, #tpu.memory_space<vmem>>
      %dma_wait3A_61 = tpu.memref_squeeze %dma_wait3A_60 : memref<1x128xi32, #tpu.memory_space<vmem>> -> memref<128xi32, #tpu.memory_space<vmem>>
      %dma_wait3A_62 = arith.constant 0 : i32
      %dma_wait3A_63 = arith.constant 0 : i32
      %dma_wait3A_64 = tpu.memref_slice %arg2[%dma_wait3A_62, %dma_wait3A_63] : memref<10000x16xf32, #tpu.memory_space<hbm>> -> memref<10000x16xf32, #tpu.memory_space<hbm>>
      tpu.wait_indirect_dma semaphore(%arg10 : memref<!tpu.dma_semaphore, #tpu.memory_space<semaphore_mem>>) src(%dma_wait3A_64 : memref<10000x16xf32, #tpu.memory_space<hbm>>) dst(%arg7 : memref<128x16xf32, #tpu.memory_space<vmem>>)
      %run_scoped3A_65 = arith.constant 1 : i32
      "tpu.region"() ({
        %run_scoped3A_79 = tpu.sem_alloc : memref<!tpu.dma_semaphore, #tpu.memory_space<semaphore_mem>>
        %dma_start3A_80 = arith.constant 0 : i32
        %dma_start3A_81 = tpu.memref_slice %arg5[%run_scoped3A_65, %dma_start3A_80] : memref<2x128xi32, #tpu.memory_space<vmem>> -> memref<1x128xi32, #tpu.memory_space<vmem>>
        %dma_start3A_82 = tpu.memref_squeeze %dma_start3A_81 : memref<1x128xi32, #tpu.memory_space<vmem>> -> memref<128xi32, #tpu.memory_space<vmem>>
        %dma_start3A_83 = arith.constant 0 : i32
        %dma_start3A_84 = arith.constant 0 : i32
        %dma_start3A_85 = tpu.memref_slice %arg9[%dma_start3A_83, %dma_start3A_84] : memref<10112x16xf32, #tpu.memory_space<vmem_shared>> -> memref<10112x16xf32, #tpu.memory_space<vmem_shared>>
        tpu.enqueue_indirect_dma source(%arg7 : memref<128x16xf32, #tpu.memory_space<vmem>>) target(%dma_start3A_85 : memref<10112x16xf32, #tpu.memory_space<vmem_shared>>) offsets(%dma_start3A_82 : memref<128xi32, #tpu.memory_space<vmem>>) semaphore(%run_scoped3A_79 : memref<!tpu.dma_semaphore, #tpu.memory_space<semaphore_mem>>) {add = true}
        %dma_wait3A_86 = arith.constant 0 : i32
        %dma_wait3A_87 = tpu.memref_slice %arg5[%run_scoped3A_65, %dma_wait3A_86] : memref<2x128xi32, #tpu.memory_space<vmem>> -> memref<1x128xi32, #tpu.memory_space<vmem>>
        %dma_wait3A_88 = tpu.memref_squeeze %dma_wait3A_87 : memref<1x128xi32, #tpu.memory_space<vmem>> -> memref<128xi32, #tpu.memory_space<vmem>>
        %dma_wait3A_89 = arith.constant 0 : i32
        %dma_wait3A_90 = arith.constant 0 : i32
        %dma_wait3A_91 = tpu.memref_slice %arg9[%dma_wait3A_89, %dma_wait3A_90] : memref<10112x16xf32, #tpu.memory_space<vmem_shared>> -> memref<10112x16xf32, #tpu.memory_space<vmem_shared>>
        tpu.wait_indirect_dma semaphore(%run_scoped3A_79 : memref<!tpu.dma_semaphore, #tpu.memory_space<semaphore_mem>>) src(%arg7 : memref<128x16xf32, #tpu.memory_space<vmem>>) dst(%dma_wait3A_91 : memref<10112x16xf32, #tpu.memory_space<vmem_shared>>)
        tpu.yield
      }) : () -> ()
      %add3A_66 = arith.constant 2 : i32
      %add3A_67 = arith.addi %mul3A_49, %add3A_66 : i32
      %lt3A = arith.constant 80 : i32
      %lt3A_68 = arith.cmpi slt, %add3A_67, %lt3A : i32
      %convert_element_type3A = arith.extui %lt3A_68 : i1 to i32
      %cond3A = arith.constant 0 : i32
      %cond3A_69 = arith.cmpi ne, %convert_element_type3A, %cond3A : i32
      scf.if %cond3A_69 {
        %add3A_79 = arith.constant 2 : i32
        %add3A_80 = arith.addi %mul3A_49, %add3A_79 : i32
        "tpu.region"() ({
          %run_scoped3A_88 = tpu.sem_alloc : memref<!tpu.dma_semaphore, #tpu.memory_space<semaphore_mem>>
          %dma_start3A_89 = arith.constant 0 : i32
          %dma_start3A_90 = arith.constant 0 : i32
          %dma_start3A_91 = tpu.memref_slice %arg3[%add3A, %add3A_80, %dma_start3A_89, %dma_start3A_90] : memref<32x80x2x128xi32, #tpu.memory_space<hbm>> -> memref<1x1x2x128xi32, #tpu.memory_space<hbm>>
          %dma_start3A_92 = tpu.memref_squeeze %dma_start3A_91 : memref<1x1x2x128xi32, #tpu.memory_space<hbm>> -> memref<2x128xi32, #tpu.memory_space<hbm>>
          %dma_start3A_93 = arith.constant 0 : i32
          %dma_start3A_94 = arith.constant 0 : i32
          %dma_start3A_95 = tpu.memref_slice %arg3[%add3A, %add3A_80, %dma_start3A_93, %dma_start3A_94] : memref<32x80x2x128xi32, #tpu.memory_space<hbm>> -> memref<1x1x2x128xi32, #tpu.memory_space<hbm>>
          %dma_start3A_96 = tpu.memref_squeeze %dma_start3A_95 : memref<1x1x2x128xi32, #tpu.memory_space<hbm>> -> memref<2x128xi32, #tpu.memory_space<hbm>>
          tpu.enqueue_dma source(%dma_start3A_96 : memref<2x128xi32, #tpu.memory_space<hbm>>) target(%arg5 : memref<2x128xi32, #tpu.memory_space<vmem>>) target_semaphore(%run_scoped3A_88 : memref<!tpu.dma_semaphore, #tpu.memory_space<semaphore_mem>>)
          %dma_wait3A_97 = arith.constant 0 : i32
          %dma_wait3A_98 = arith.constant 0 : i32
          %dma_wait3A_99 = tpu.memref_slice %arg3[%add3A, %add3A_80, %dma_wait3A_97, %dma_wait3A_98] : memref<32x80x2x128xi32, #tpu.memory_space<hbm>> -> memref<1x1x2x128xi32, #tpu.memory_space<hbm>>
          %dma_wait3A_100 = tpu.memref_squeeze %dma_wait3A_99 : memref<1x1x2x128xi32, #tpu.memory_space<hbm>> -> memref<2x128xi32, #tpu.memory_space<hbm>>
          %dma_wait3A_101 = arith.constant 0 : i32
          %dma_wait3A_102 = arith.constant 0 : i32
          %dma_wait3A_103 = tpu.memref_slice %arg3[%add3A, %add3A_80, %dma_wait3A_101, %dma_wait3A_102] : memref<32x80x2x128xi32, #tpu.memory_space<hbm>> -> memref<1x1x2x128xi32, #tpu.memory_space<hbm>>
          %dma_wait3A_104 = tpu.memref_squeeze %dma_wait3A_103 : memref<1x1x2x128xi32, #tpu.memory_space<hbm>> -> memref<2x128xi32, #tpu.memory_space<hbm>>
          tpu.wait_dma2 semaphore(%run_scoped3A_88 : memref<!tpu.dma_semaphore, #tpu.memory_space<semaphore_mem>>) src(%dma_wait3A_104 : memref<2x128xi32, #tpu.memory_space<hbm>>) dst(%arg5 : memref<2x128xi32, #tpu.memory_space<vmem>>)
          tpu.yield
        }) : () -> ()
        %dma_start3A_81 = arith.constant 0 : i32
        %dma_start3A_82 = arith.constant 0 : i32
        %dma_start3A_83 = tpu.memref_slice %arg5[%dma_start3A_81, %dma_start3A_82] : memref<2x128xi32, #tpu.memory_space<vmem>> -> memref<1x128xi32, #tpu.memory_space<vmem>>
        %dma_start3A_84 = tpu.memref_squeeze %dma_start3A_83 : memref<1x128xi32, #tpu.memory_space<vmem>> -> memref<128xi32, #tpu.memory_space<vmem>>
        %dma_start3A_85 = arith.constant 0 : i32
        %dma_start3A_86 = arith.constant 0 : i32
        %dma_start3A_87 = tpu.memref_slice %arg2[%dma_start3A_85, %dma_start3A_86] : memref<10000x16xf32, #tpu.memory_space<hbm>> -> memref<10000x16xf32, #tpu.memory_space<hbm>>
        tpu.enqueue_indirect_dma source(%dma_start3A_87 : memref<10000x16xf32, #tpu.memory_space<hbm>>) target(%arg7 : memref<128x16xf32, #tpu.memory_space<vmem>>) offsets(%dma_start3A_84 : memref<128xi32, #tpu.memory_space<vmem>>) semaphore(%arg10 : memref<!tpu.dma_semaphore, #tpu.memory_space<semaphore_mem>>)
      } else {
      }
      %dma_wait3A_70 = arith.constant 0 : i32
      %dma_wait3A_71 = arith.constant 0 : i32
      %dma_wait3A_72 = tpu.memref_slice %arg6[%dma_wait3A_70, %dma_wait3A_71] : memref<2x128xi32, #tpu.memory_space<vmem>> -> memref<1x128xi32, #tpu.memory_space<vmem>>
      %dma_wait3A_73 = tpu.memref_squeeze %dma_wait3A_72 : memref<1x128xi32, #tpu.memory_space<vmem>> -> memref<128xi32, #tpu.memory_space<vmem>>
      %dma_wait3A_74 = arith.constant 0 : i32
      %dma_wait3A_75 = arith.constant 0 : i32
      %dma_wait3A_76 = tpu.memref_slice %arg2[%dma_wait3A_74, %dma_wait3A_75] : memref<10000x16xf32, #tpu.memory_space<hbm>> -> memref<10000x16xf32, #tpu.memory_space<hbm>>
      tpu.wait_indirect_dma semaphore(%arg11 : memref<!tpu.dma_semaphore, #tpu.memory_space<semaphore_mem>>) src(%dma_wait3A_76 : memref<10000x16xf32, #tpu.memory_space<hbm>>) dst(%arg8 : memref<128x16xf32, #tpu.memory_space<vmem>>)
      %run_scoped3A_77 = arith.constant 1 : i32
      "tpu.region"() ({
        %run_scoped3A_79 = tpu.sem_alloc : memref<!tpu.dma_semaphore, #tpu.memory_space<semaphore_mem>>
        %dma_start3A_80 = arith.constant 0 : i32
        %dma_start3A_81 = tpu.memref_slice %arg6[%run_scoped3A_77, %dma_start3A_80] : memref<2x128xi32, #tpu.memory_space<vmem>> -> memref<1x128xi32, #tpu.memory_space<vmem>>
        %dma_start3A_82 = tpu.memref_squeeze %dma_start3A_81 : memref<1x128xi32, #tpu.memory_space<vmem>> -> memref<128xi32, #tpu.memory_space<vmem>>
        %dma_start3A_83 = arith.constant 0 : i32
        %dma_start3A_84 = arith.constant 0 : i32
        %dma_start3A_85 = tpu.memref_slice %arg9[%dma_start3A_83, %dma_start3A_84] : memref<10112x16xf32, #tpu.memory_space<vmem_shared>> -> memref<10112x16xf32, #tpu.memory_space<vmem_shared>>
        tpu.enqueue_indirect_dma source(%arg8 : memref<128x16xf32, #tpu.memory_space<vmem>>) target(%dma_start3A_85 : memref<10112x16xf32, #tpu.memory_space<vmem_shared>>) offsets(%dma_start3A_82 : memref<128xi32, #tpu.memory_space<vmem>>) semaphore(%run_scoped3A_79 : memref<!tpu.dma_semaphore, #tpu.memory_space<semaphore_mem>>) {add = true}
        %dma_wait3A_86 = arith.constant 0 : i32
        %dma_wait3A_87 = tpu.memref_slice %arg6[%run_scoped3A_77, %dma_wait3A_86] : memref<2x128xi32, #tpu.memory_space<vmem>> -> memref<1x128xi32, #tpu.memory_space<vmem>>
        %dma_wait3A_88 = tpu.memref_squeeze %dma_wait3A_87 : memref<1x128xi32, #tpu.memory_space<vmem>> -> memref<128xi32, #tpu.memory_space<vmem>>
        %dma_wait3A_89 = arith.constant 0 : i32
        %dma_wait3A_90 = arith.constant 0 : i32
        %dma_wait3A_91 = tpu.memref_slice %arg9[%dma_wait3A_89, %dma_wait3A_90] : memref<10112x16xf32, #tpu.memory_space<vmem_shared>> -> memref<10112x16xf32, #tpu.memory_space<vmem_shared>>
        tpu.wait_indirect_dma semaphore(%run_scoped3A_79 : memref<!tpu.dma_semaphore, #tpu.memory_space<semaphore_mem>>) src(%arg8 : memref<128x16xf32, #tpu.memory_space<vmem>>) dst(%dma_wait3A_91 : memref<10112x16xf32, #tpu.memory_space<vmem_shared>>)
        tpu.yield
      }) : () -> ()
      %scan3A_78 = arith.constant 0 : i32
      scf.yield %scan3A_78 : i32
    }
    %scan3A_40 = arith.constant 40 : i32
    %barrier3A_41 = arith.constant 0 : index
    tpu.barrier barrier_id(%barrier3A_41)
    %mul3A_42 = arith.constant 632 : i32
    %mul3A_43 = arith.muli %arg1, %mul3A_42 : i32
    %mul3A_44 = arith.constant 632 : i32
    %mul3A_45 = arith.muli %arg1, %mul3A_44 : i32
    "tpu.region"() ({
      %run_scoped3A_46 = tpu.sem_alloc : memref<!tpu.dma_semaphore, #tpu.memory_space<semaphore_mem>>
      %dma_start3A_47 = arith.constant 0 : i32
      %dma_start3A_48 = tpu.memref_slice %arg4[%arg0, %mul3A_45, %dma_start3A_47] : memref<2x10112x16xf32, #tpu.memory_space<hbm>> -> memref<1x632x16xf32, #tpu.memory_space<hbm>>
      %dma_start3A_49 = tpu.memref_squeeze %dma_start3A_48 : memref<1x632x16xf32, #tpu.memory_space<hbm>> -> memref<632x16xf32, #tpu.memory_space<hbm>>
      %dma_start3A_50 = arith.constant 0 : i32
      %dma_start3A_51 = tpu.memref_slice %arg9[%mul3A_43, %dma_start3A_50] : memref<10112x16xf32, #tpu.memory_space<vmem_shared>> -> memref<632x16xf32, #tpu.memory_space<vmem_shared>>
      tpu.enqueue_dma source(%dma_start3A_51 : memref<632x16xf32, #tpu.memory_space<vmem_shared>>) target(%dma_start3A_49 : memref<632x16xf32, #tpu.memory_space<hbm>>) target_semaphore(%run_scoped3A_46 : memref<!tpu.dma_semaphore, #tpu.memory_space<semaphore_mem>>)
      %dma_wait3A = arith.constant 0 : i32
      %dma_wait3A_52 = tpu.memref_slice %arg4[%arg0, %mul3A_45, %dma_wait3A] : memref<2x10112x16xf32, #tpu.memory_space<hbm>> -> memref<1x632x16xf32, #tpu.memory_space<hbm>>
      %dma_wait3A_53 = tpu.memref_squeeze %dma_wait3A_52 : memref<1x632x16xf32, #tpu.memory_space<hbm>> -> memref<632x16xf32, #tpu.memory_space<hbm>>
      %dma_wait3A_54 = arith.constant 0 : i32
      %dma_wait3A_55 = tpu.memref_slice %arg9[%mul3A_43, %dma_wait3A_54] : memref<10112x16xf32, #tpu.memory_space<vmem_shared>> -> memref<632x16xf32, #tpu.memory_space<vmem_shared>>
      tpu.wait_dma2 semaphore(%run_scoped3A_46 : memref<!tpu.dma_semaphore, #tpu.memory_space<semaphore_mem>>) src(%dma_wait3A_55 : memref<632x16xf32, #tpu.memory_space<vmem_shared>>) dst(%dma_wait3A_53 : memref<632x16xf32, #tpu.memory_space<hbm>>)
      tpu.yield
    }) : () -> ()
    return
  }
}

</mosaic_0001>

<sc_bundles>
// kernel: _sc_segment_sum.3.cloned.1.call-start
scs
__scs_entry_jumppad:
0x0: {  	(pc) =	sbr.rel $0x88, $3  }
0x1: {  	(tag) =	ssettag $0x0;
	lr =	simm.s32 $0x1  }
0x2: {  	[smem:$0x3F9F] =	sst lr;
	_ =	strace $0xD0000000  }
0x3: {  	_ = 	snop  }
0x4: {  	_ = 	snop  }
0x5: {  	_ = 	snop  }
0x6: {  	_ = 	snop  }
0x7: {  	_ = 	snop  }
__scs_overlays_trampoline_lowered:
0x8: {  	[smem:$0x3FAE] =	sst s0  }
0x9: {  	[smem:$0x3FAF] =	sst s1  }
0xa: {  	[smem:$0x3FB0] =	sst s2  }
0xb: {  	[smem:$0x3FB1] =	sst s3  }
0xc: {  	[smem:$0x3FB2] =	sst s4  }
0xd: {  	[smem:$0x3FB3] =	sst s5  }
0xe: {  	[smem:$0x3FB4] =	sst s6  }
0xf: {  	[smem:$0x3FB5] =	sst s7  }
0x10: {  	[smem:$0x3FB6] =	sst s8  }
0x11: {  	[smem:$0x3FB7] =	sst s9;
	s0 =	simm.s32 @!p0 $0x0  }
0x12: {  	s1 =	sld [smem:$0x3F9D];
	s0 =	simm.s32 @p0 $0x1  }
0x13: {  	[smem:$0x3FB8] =	sst s0;
	s0 =	simm.s32 @!p1 $0x0  }
0x14: {  	s2 =	sld [smem:$0x3F9C];
	s0 =	simm.s32 @p1 $0x1  }
0x15: {  	[smem:$0x3FB9] =	sst s0;
	s0 =	simm.s32 @!p2 $0x0  }
0x16: {  	s3 =	sld [smem:$0x3FDB];
	s0 =	simm.s32 @p2 $0x1  }
0x17: {  	s4 =	simm.s32 $0x1BF5;
	[smem:$0x3FBB] =	sst s0  }
0x18: {  	s0 =	sld [smem:$0x3F9E];
	_ =	swait.ge [sflag:s4], $0x0  }
0x19: {  	s7 =	sld [smem:$0x3F9F]  }
0x1a: {  	s8 =	sadd.s32 $0xFFFFE003, lr  }
0x1b: {  	s9 =	sadd.s32 $0xFFFFFEF7, lr;
	s5 =	simm.s32 $0xFFFFFFFF;
	p2 =	slt.u32 s8, $0xFFFFF086  }
0x1c: {  	p1 =	slt.u32 s9, $0xF7A;
	s5 =	simm.s32 @!p2 $0x0  }
0x1d: {  	s5 =	simm.s32 @p1 $0x1;
	p0 =	seq.s32 s7, s2  }
0x1e: {  	s7 =	smul.u32 @!p0 $0xF7A, s2;
	p2 =	seq.s32 @!p0 s5, $0x0  }
0x1f: {  	s9 =	smul.u32 $0xF7A, s1;
	s8 =	simm.s32 @!p0 $0x1BF5;
	p2 =	por !p2, p0  }
0x20: {  	[sflag:s8] =	ssyncset.s32 @!p0 $0xFFFFF086;
	s6 =	sadd.s32 @!p0 s3, s7;
	s7 =	simm.s32 @!p0 $0x108  }
0x21: {  	s3 =	sadd.s32 s3, s9;
	s6 =	sadd.s32 @!p0 $0x88, s6;
	s7 =	simm.s32 @p2 $0x1082  }
0x22: {  	[simem:s7], [sflag:s8] =	dma.local @!p0 [hbm:s6], $0xF7A  }
0x23: {  	s9 =	sor.u32 $0xD0000000, s2;
	s6 =	simm.s32 $0x108;
	_ =	swait.ge @!p0 [sflag:s8], $0x0  }
0x24: {  	s3 =	sadd.s32 $0x88, s3;
	s6 =	simm.s32 @!p1 $0x1082;
	[sflag:s4] =	ssyncset.s32 $0xFFFFF086  }
0x25: {  	[simem:s6], [sflag:s4] =	dma.local [hbm:s3], $0xF7A  }
0x26: {  	[smem:$0x3F9F] =	sst s1;
	(tag) =	ssettag s2;
	_ =	strace s9  }
0x27: {  	s1 =	sld [smem:$0x3FAF]  }
0x28: {  	s2 =	sld [smem:$0x3FB0]  }
0x29: {  	s4 =	sld [smem:$0x3FB2]  }
0x2a: {  	p0 =	seq.s32 s5, $0x0;
	s5 =	sld [smem:$0x3FB3]  }
0x2b: {  	s6 =	sld [smem:$0x3FB4]  }
0x2c: {  	s7 =	sld [smem:$0x3FB5]  }
0x2d: {  	s3 =	simm.s32 $0x108;
	s8 =	sld [smem:$0x3FB6]  }
0x2e: {  	s3 =	simm.s32 @!p0 $0x1082;
	s9 =	sld [smem:$0x3FB7]  }
0x2f: {  	lr =	sadd.s32 s0, s3;
	s0 =	sld [smem:$0x3FAE]  }
0x30: {  	s3 =	sld [smem:$0x3FB1]  }
0x31: {  	[smem:$0x3FBA] =	sst s10  }
0x32: {  	s10 =	sld [smem:$0x3FB8];
	_ =	sdelay $0x3  }
0x33: {  	p0 =	seq.s32 s10, $0x1;
	s10 =	sld [smem:$0x3FBA];
	_ =	sdelay $0x3  }
0x34: {  	[smem:$0x3FBA] =	sst s10  }
0x35: {  	s10 =	sld [smem:$0x3FB9];
	_ =	sdelay $0x3  }
0x36: {  	p1 =	seq.s32 s10, $0x1;
	s10 =	sld [smem:$0x3FBA];
	_ =	sdelay $0x3  }
0x37: {  	[smem:$0x3FBA] =	sst s10  }
0x38: {  	s10 =	sld [smem:$0x3FBB]  }
0x39: {  	_ = 	snop;
	(pc) =	sbr.ind lr, $3  }
0x3a: {  	_ = 	snop  }
0x3b: {  	_ = 	snop  }
0x3c: {  	p2 =	seq.s32 s10, $0x1;
	s10 =	sld [smem:$0x3FBA]  }
0x3d: {  	_ =	shalt  }
0x3e: {  	_ =	shalt  }
0x3f: {  	_ =	shalt  }
0x40: {  	_ =	shalt  }
0x41: {  	_ =	shalt  }
0x42: {  	_ =	shalt  }
0x43: {  	_ =	shalt  }
0x44: {  	_ =	shalt  }
0x45: {  	_ =	shalt  }
0x46: {  	_ =	shalt  }
0x47: {  	_ =	shalt  }
0x48: {  	_ =	shalt  }
0x49: {  	_ =	shalt  }
0x4a: {  	_ =	shalt  }
0x4b: {  	_ =	shalt  }
0x4c: {  	_ =	shalt  }
0x4d: {  	_ =	shalt  }
0x4e: {  	_ =	shalt  }
0x4f: {  	_ =	shalt  }
0x50: {  	_ =	shalt  }
0x51: {  	_ =	shalt  }
0x52: {  	_ =	shalt  }
0x53: {  	_ =	shalt  }
0x54: {  	_ =	shalt  }
0x55: {  	_ =	shalt  }
0x56: {  	_ =	shalt  }
0x57: {  	_ =	shalt  }
0x58: {  	_ =	shalt  }
0x59: {  	_ =	shalt  }
0x5a: {  	_ =	shalt  }
0x5b: {  	_ =	shalt  }
0x5c: {  	_ =	shalt  }
0x5d: {  	_ =	shalt  }
0x5e: {  	_ =	shalt  }
0x5f: {  	_ =	shalt  }
0x60: {  	_ =	shalt  }
0x61: {  	_ =	shalt  }
0x62: {  	_ =	shalt  }
0x63: {  	_ =	shalt  }
0x64: {  	_ =	shalt  }
0x65: {  	_ =	shalt  }
0x66: {  	_ =	shalt  }
0x67: {  	_ =	shalt  }
0x68: {  	_ =	shalt  }
0x69: {  	_ =	shalt  }
0x6a: {  	_ =	shalt  }
0x6b: {  	_ =	shalt  }
0x6c: {  	_ =	shalt  }
0x6d: {  	_ =	shalt  }
0x6e: {  	_ =	shalt  }
0x6f: {  	_ =	shalt  }
0x70: {  	_ =	shalt  }
0x71: {  	_ =	shalt  }
0x72: {  	_ =	shalt  }
0x73: {  	_ =	shalt  }
0x74: {  	_ =	shalt  }
0x75: {  	_ =	shalt  }
0x76: {  	_ =	shalt  }
0x77: {  	_ =	shalt  }
0x78: {  	_ =	shalt  }
0x79: {  	_ =	shalt  }
0x7a: {  	_ =	shalt  }
0x7b: {  	_ =	shalt  }
0x7c: {  	_ =	shalt  }
0x7d: {  	_ =	shalt  }
0x7e: {  	_ =	shalt  }
0x7f: {  	_ =	shalt  }
0x80: {  	_ =	shalt  }
0x81: {  	_ =	shalt  }
0x82: {  	_ =	shalt  }
0x83: {  	_ =	shalt  }
0x84: {  	_ =	shalt  }
0x85: {  	_ =	shalt  }
0x86: {  	_ =	shalt  }
0x87: {  	_ =	shalt  }
.Lfunc_end0:
.L_simem_size_0:
called_computation_lowered:
.L_overlay_start_0:
0x88: {  	s2 =	sld [smem:$0x3FD9]  }
0x89: {  	s3 =	sld [smem:$0x3FFE];
	_ =	sdelay $0x1  }
0x8a: {  	s1 =	srdreg.scid  }
0x8b: {  	s0 =	sand.u32 $0x1, s1  }
0x8c: {  	s17 =	sshll.u32 s0, $0xA;
	s2 =	sadd.s32 s3, s2  }
0x8d: {  	s2 =	sadd.s32 s2, s17  }
0x8e: {  	[smem:$0x3FC6] =	sst s2  }
0x8f: {  	_ = 	snop  }
0x90: {  	s2 =	sld [smem:$0x3FC8]  }
0x91: {  	s18 =	sld [smem:$0x3FD0];
	(tm) =	ssettm $0x1  }
0x92: {  	s4 =	sld [smem:$0x3FFB];
	_ =	sdelay $0x3  }
0x93: {  	_ =	strace s4  }
0x94: {  	s4 =	sld [smem:$0x3FFC];
	_ =	sdelay $0x3  }
0x95: {  	_ =	strace s4  }
0x96: {  	s4 =	sld [smem:$0x3FFD];
	_ =	sdelay $0x3  }
0x97: {  	_ =	strace s4  }
0x98: {  	_ =	strace $0x8FFFFFFF  }
0x99: {  	s19 =	sld [smem:$0x3FDB];
	_ =	sdelay $0x1  }
0x9a: {  	s5 =	simm.s32 $_scs_section_size  }
0x9b: {  	s6 =	simm.s32 $_size__tile_overlayer_lowered;
	s7 =	simm.s32 $_tile_overlayer_lowered  }
0x9c: {  	s22 =	simm.s32 $0x1BFF;
	s21 =	sshll.u32 s7, $0x1;
	s4 =	sadd.s32 s5, s19  }
0x9d: {  	s8 =	simm.s32 $0x0;
	s20 =	sshll.u32 s6, $0x1;
	s6 =	sadd.s32 s21, s4  }
0x9e: {  	[timem:s8], [sflag:s22] =	dma.local [hbm:s6], s20  }
0x9f: {  	_ =	swait.ge [sflag:s22], s20  }
0xa0: {  	s5 =	ssub.s32 $0x0, s20;
	[sflag:s22] =	ssyncset.done $0x0  }
0xa1: {  	[sflag:s22] =	ssyncadd.s32 s5;
	_ =	sdelay $0x1  }
0xa2: {  	s23 =	simm.s32 $0x1B8B  }
0xa3: {  	_ =	swait.ge [sflag:s23], $0x1  }
0xa4: {  	[sflag:s23] =	ssyncset.done $0x0  }
0xa5: {  	s25 =	simm.s32 $0x1B8E;
	s24 =	sld [smem:$0x3FFE];
	[sflag:s23] =	ssyncadd.s32 $0xFFFFFFFF  }
0xa6: {  	s26 =	simm.s32 $execute0_lowered;
	[smem:$0x3FD2] =	sst s25  }
0xa7: {  	s6 =	sshll.u32 s26, $0x1;
	_ =	strace $0x80000046;
	[dreg:$0x1] =	wrdreg $0xFFFFFFFF  }
0xa8: {  	s28 =	simm.s32 $_size_execute0_lowered;
	s4 =	sadd.s32 s4, s6;
	[dreg:$0x0] =	wrdreg $0x0  }
0xa9: {  	s6 =	sshll.u32 s28, $0x1;
	[dreg:$0x2] =	wrdreg s4  }
0xaa: {  	[dreg:$0x3] =	wrdreg s6  }
0xab: {  	[dreg:$0x4] =	wrdreg $0xC0  }
0xac: {  	_ =	task [dreg:s8], $0x5FFFF  }
0xad: {  	[dreg:$0x1] =	wrdreg $0xFFFFFFFF  }
0xae: {  	[dreg:$0x0] =	wrdreg $0x60  }
0xaf: {  	[dreg:$0x2] =	wrdreg s24  }
0xb0: {  	[dreg:$0x3] =	wrdreg s2  }
0xb1: {  	[dreg:$0x4] =	wrdreg s18  }
0xb2: {  	[dreg:$0x5] =	wrdreg $0x12000  }
0xb3: {  	[dreg:$0x6] =	wrdreg $0x9  }
0xb4: {  	_ =	task.clear_ibuf [dreg:s8], $0x7FFFF;
	_ =	strace $0x90000046  }
0xb5: {  	s29 =	simm.s32 $0x9;
	_ =	strace $0x80000048  }
0xb6: {  	_ =	swait.ge [sflag:s29], $0x1  }
0xb7: {  	[sflag:s29] =	ssyncadd.s32 $0xFFFFFFFF  }
0xb8: {  	_ =	strace $0x90000048  }
0xb9: {  	_ =	sfence  }
0xba: {  	s30 =	sld [smem:$0x0];
	_ =	sdelay $0x2  }
0xbb: {  	s31 =	sshll.u32 s1, $0xD;
	s1 =	sshrl.u32 s1, $0x2  }
0xbc: {  	s3 =	sand.u32 $0x4000, s31;
	s1 =	sadd.s32 s1, s30  }
0xbd: {  	s0 =	sor.u32 s3, s0;
	s1 =	sshll.u32 s1, $0x11  }
0xbe: {  	s0 =	sor.u32 s1, s0  }
0xbf: {  	s0 =	sadd.s32 $0x8F2B, s0  }
0xc0: {  	[sflag:s0] =	ssyncadd.remote.s32 $0x1  }
0xc1: {  	_ =	sfence.sel $0xFFFF  }
0xc2: {  	[dreg:$0x0] =	wrdreg $0xFFFFFFFF;
	(pc) =	sbr.abs _section_cstart, $3  }
0xc3: {  	[dreg:$0x1] =	wrdreg $0xFFFFFFFF  }
0xc4: {  	_ =	task.clear_ibuf [dreg:s8], $0x2FFFF;
	_ =	strace $0x9FFFFFFF  }
0xc5: {  	(tm) =	ssettm $0x7FFFFFFF  }
tec
execute0_lowered:
.L_overlay_start_1:
0x0: {  	(tag) =	ssettag $0x1  }
0x1: {  	s4 =	rddreg [dreg:$0x0]  }
0x2: {  	s15 =	rddreg [dreg:$0x1]  }
0x3: {  	s11 =	rddreg [dreg:$0x2]  }
0x4: {  	s1 =	rddreg [dreg:$0x3]  }
0x5: {  	s0 =	rddreg [dreg:$0x4]  }
0x6: {  	s3 =	simm.s32 $0x0;
	s5 =	srdreg.scid;
	s2 =	stileid.u32  }
0x7: {  	s18 =	simm.s32 $0x80;
	s19 =	simm.s32 $0x100;
	s20 =	simm.s32 $0xA00  }
0x8: {  	s21 =	simm.s32 $0x1;
	s22 =	simm.s32 $0x2;
	s6 =	smul.u32 $0x9E00, s2  }
0x9: {  	s23 =	simm.s32 $0x180;
	s24 =	simm.s32 $0x0;
	s10 =	smul.u32 $0x2780, s2  }
0xa: {  	[smem:$0x7FF] =	sst s3;
	s7 =	sand.u32 $0x1, s5;
	s17 =	smul.u32 $0x5000, s2  }
0xb: {  	s4 =	sadd.s32 $0x400, s4;
	_ =	strace $0x80000047;
	s14 =	smul.u32 $0x27800, s7  }
0xc: {  	s5 =	sshll.u32 s7, $0x4;
	s8 =	ssub.s32 $0x2, s7;
	s16 =	smul.u32 $0x50000, s7  }
0xd: {  	s5 =	sor.u32 s2, s5;
	s9 =	sshrl.u32 s8, $0x1;
	s6 =	sshrl.u32 s6, $0x2  }
0xe: {  	s12 =	smul.u32 $0x5000, s5;
	s13 =	ssub.s32 s8, s9;
	s28 =	sadd.s32 s6, s1  }
0xf: {  	s5 =	sadd.s32 s10, s1;
	s14 =	sadd.s32 s10, s14;
	s30 =	sadd.s32 s17, s16  }
0x10: {  	s17 =	simm.s32 $0x3;
	s6 =	sadd.s32 $0x800, s28;
	s7 =	sadd.s32 $0x1000, s28  }
0x11: {  	s8 =	sadd.s32 $0x1800, s28;
	s9 =	sadd.s32 $0x2000, s28;
	s29 =	sshrl.u32 s14, $0x3  }
0x12: {  	s16 =	sor.u32 $0x200, s30;
	s14 =	sor.u32 $0x100, s30;
	s12 =	sshrl.u32 s12, $0x3  }
0x13: {  	s11 =	sadd.s32 s11, s29;
	s16 =	sshrl.u32 s16, $0x3;
	s31 =	sshrl.u32 s14, $0x3  }
0x14: {  	s10 =	sadd.s32 s15, s12;
	s12 =	smax.u32 s13, $0x1;
	s14 =	sadd.s32 s16, s15  }
0x15: {  	v0 =	vimm.f32 $0.0e+00;
	s15 =	sadd.s32 s31, s15;
	s16 =	simm.s32 $0x200;
	s13 =	sadd.s32 $0x9E0, s10  }
.LBB2_1:
0x16: {  	s25 =	simm.s32 $0x40;
	s26 =	simm.s32 $0x0  }
.LBB2_2:
0x17: {  	p0 =	sne.s32 s25, $0x1FC0;
	[tilespmem:s26+$0x200] =	vst v0;
	s26 =	smov.u32 s25;
	s25 =	sadd.s32 $0x40, s25  }
.Ltmp0:
0x18: {  	(pc) =	sbr.rel @p0 .LBB2_2-.Ltmp0, $2  }
0x19: {  	_ =	sdelay $0x2  }
0x1a: {  	s26 =	sshra.s32 s26, $0x2  }
0x1b: {  	[tilespmem:s26+$0x200] =	vst v0  }
0x1c: {  	[spmem:s5] =	stream.linear.scatter [tilespmem:s16], [sflag:$0x3], $0x800, $0x38;
	[tilespmem:$0x3980] =	vst v63  }
0x1d: {  	_ =	swait.ge [sflag:s17], $0x800  }
0x1e: {  	[sflag:s17] =	ssyncset.done $0x0  }
0x1f: {  	[sflag:s17] =	ssyncadd.s32 $0xFFFFF800  }
0x20: {  	[spmem:s6] =	stream.linear.scatter [tilespmem:s16], [sflag:$0x3], $0x800, $0x38;
	[tilespmem:$0x3980] =	vst v63  }
0x21: {  	_ =	swait.ge [sflag:s17], $0x800  }
0x22: {  	[sflag:s17] =	ssyncset.done $0x0  }
0x23: {  	[sflag:s17] =	ssyncadd.s32 $0xFFFFF800  }
0x24: {  	[spmem:s7] =	stream.linear.scatter [tilespmem:s16], [sflag:$0x3], $0x800, $0x38;
	[tilespmem:$0x3980] =	vst v63  }
0x25: {  	_ =	swait.ge [sflag:s17], $0x800  }
0x26: {  	[sflag:s17] =	ssyncset.done $0x0  }
0x27: {  	[sflag:s17] =	ssyncadd.s32 $0xFFFFF800  }
0x28: {  	[spmem:s8] =	stream.linear.scatter [tilespmem:s16], [sflag:$0x3], $0x800, $0x38;
	[tilespmem:$0x3980] =	vst v63  }
0x29: {  	_ =	swait.ge [sflag:s17], $0x800  }
0x2a: {  	[sflag:s17] =	ssyncset.done $0x0  }
0x2b: {  	[sflag:s17] =	ssyncadd.s32 $0xFFFFF800  }
0x2c: {  	[spmem:s9] =	stream.linear.scatter [tilespmem:s16], [sflag:$0x3], $0x780, $0x38;
	[tilespmem:$0x3980] =	vst v63  }
0x2d: {  	_ =	swait.ge [sflag:s17], $0x780  }
0x2e: {  	[sflag:s17] =	ssyncset.done $0x0  }
0x2f: {  	[sflag:s17] =	ssyncadd.s32 $0xFFFFF880  }
0x30: {  	s25 =	simm.s32 $0x0;
	[bflag:$0x0] =	sbarrier.arrive $0xFFFF  }
0x31: {  	[tilespmem:s25], [sflag:$0x3] =	stream.linear.gather [hbm4b:s10+s25], $0x100, $0x38;
	[tilespmem:$0x3980] =	vst v63  }
0x32: {  	_ =	swait.ge [sflag:s17], $0x100  }
0x33: {  	[sflag:s17] =	ssyncset.done $0x0  }
0x34: {  	[sflag:s17] =	ssyncadd.s32 $0xFFFFFF00  }
0x35: {  	[tilespmem:s16], [sflag:$0x1] =	stream.indirect.gather [hbm4b:s4+s18], $0x10, s25, s18, $0xb8;
	[tilespmem:$0x3980] =	vst v63  }
0x36: {  	s30 =	sadd.s32 $0x0, s15  }
0x37: {  	[tilespmem:s19], [sflag:$0x3] =	stream.linear.gather [hbm4b:s30+s3], $0x100, $0x38;
	[tilespmem:$0x3980] =	vst v63  }
0x38: {  	_ =	swait.ge [sflag:s17], $0x100  }
0x39: {  	[sflag:s17] =	ssyncset.done $0x0  }
0x3a: {  	[sflag:s17] =	ssyncadd.s32 $0xFFFFFF00  }
0x3b: {  	[tilespmem:s20], [sflag:$0x2] =	stream.indirect.gather [hbm4b:s4+s18], $0x10, s19, s18, $0xb8;
	[tilespmem:$0x3980] =	vst v63  }
0x3c: {  	_ =	swait.ge [sflag:s21], $0x800  }
0x3d: {  	[sflag:s21] =	ssyncset.done $0x0  }
0x3e: {  	[sflag:s21] =	ssyncadd.s32 $0xFFFFF800  }
0x3f: {  	[spmem:s1] =	stream.indirect.scatter.add.f32 [tilespmem:s16], [sflag:$0x3], $0x10, s18, s18, $0xb8;
	[tilespmem:$0x3980] =	vst v63  }
0x40: {  	_ =	swait.ge [sflag:s17], $0x800  }
0x41: {  	[sflag:s17] =	ssyncset.done $0x0  }
0x42: {  	s31 =	sadd.s32 $0x0, s14;
	[sflag:s17] =	ssyncadd.s32 $0xFFFFF800  }
0x43: {  	[tilespmem:s3], [sflag:$0x3] =	stream.linear.gather [hbm4b:s31+s3], $0x100, $0x38;
	[tilespmem:$0x3980] =	vst v63  }
0x44: {  	_ =	swait.ge [sflag:s17], $0x100  }
0x45: {  	[sflag:s17] =	ssyncset.done $0x0  }
0x46: {  	[sflag:s17] =	ssyncadd.s32 $0xFFFFFF00  }
0x47: {  	[tilespmem:s16], [sflag:$0x1] =	stream.indirect.gather [hbm4b:s4+s18], $0x10, s3, s18, $0xb8;
	[tilespmem:$0x3980] =	vst v63  }
0x48: {  	_ =	swait.ge [sflag:s22], $0x800  }
0x49: {  	[sflag:s22] =	ssyncset.done $0x0  }
0x4a: {  	[sflag:s22] =	ssyncadd.s32 $0xFFFFF800  }
0x4b: {  	[spmem:s1] =	stream.indirect.scatter.add.f32 [tilespmem:s20], [sflag:$0x3], $0x10, s23, s18, $0xb8;
	[tilespmem:$0x3980] =	vst v63  }
0x4c: {  	_ =	swait.ge [sflag:s17], $0x800  }
0x4d: {  	s26 =	simm.s32 $0x80;
	s25 =	simm.s32 $0x40;
	[sflag:s17] =	ssyncset.done $0x0  }
.LBB2_4:
0x4e: {  	s28 =	sadd.s32 s25, s15  }
0x4f: {  	[sflag:s17] =	ssyncadd.s32 $0xFFFFF800;
	s29 =	smov.u32 s26;
	s30 =	sadd.s32 $0x40, s26  }
0x50: {  	[tilespmem:s19], [sflag:$0x3] =	stream.linear.gather [hbm4b:s28+s3], $0x100, $0x38;
	[tilespmem:$0x3980] =	vst v63  }
0x51: {  	p0 =	sne.s32 s26, $0x980;
	_ =	swait.ge [sflag:s17], $0x100  }
0x52: {  	[sflag:s17] =	ssyncset.done $0x0  }
0x53: {  	[sflag:s17] =	ssyncadd.s32 $0xFFFFFF00  }
0x54: {  	[tilespmem:s20], [sflag:$0x2] =	stream.indirect.gather [hbm4b:s4+s18], $0x10, s19, s18, $0xb8;
	[tilespmem:$0x3980] =	vst v63  }
0x55: {  	_ =	swait.ge [sflag:s21], $0x800  }
0x56: {  	[sflag:s21] =	ssyncset.done $0x0  }
0x57: {  	[sflag:s21] =	ssyncadd.s32 $0xFFFFF800  }
0x58: {  	[spmem:s1] =	stream.indirect.scatter.add.f32 [tilespmem:s16], [sflag:$0x3], $0x10, s18, s18, $0xb8;
	[tilespmem:$0x3980] =	vst v63  }
0x59: {  	_ =	swait.ge [sflag:s17], $0x800  }
0x5a: {  	[sflag:s17] =	ssyncset.done $0x0  }
0x5b: {  	s26 =	sadd.s32 s25, s14;
	s25 =	smov.u32 s29;
	[sflag:s17] =	ssyncadd.s32 $0xFFFFF800  }
0x5c: {  	[tilespmem:s3], [sflag:$0x3] =	stream.linear.gather [hbm4b:s26+s3], $0x100, $0x38;
	[tilespmem:$0x3980] =	vst v63  }
0x5d: {  	_ =	swait.ge [sflag:s17], $0x100  }
0x5e: {  	[sflag:s17] =	ssyncset.done $0x0  }
0x5f: {  	[sflag:s17] =	ssyncadd.s32 $0xFFFFFF00  }
0x60: {  	[tilespmem:s16], [sflag:$0x1] =	stream.indirect.gather [hbm4b:s4+s18], $0x10, s3, s18, $0xb8;
	[tilespmem:$0x3980] =	vst v63  }
0x61: {  	_ =	swait.ge [sflag:s22], $0x800  }
.Ltmp1:
0x62: {  	[sflag:s22] =	ssyncset.done $0x0;
	(pc) =	sbr.rel @p0 .LBB2_4-.Ltmp1, $4  }
0x63: {  	[sflag:s22] =	ssyncadd.s32 $0xFFFFF800  }
0x64: {  	[spmem:s1] =	stream.indirect.scatter.add.f32 [tilespmem:s20], [sflag:$0x3], $0x10, s23, s18, $0xb8;
	[tilespmem:$0x3980] =	vst v63  }
0x65: {  	_ =	swait.ge [sflag:s17], $0x800  }
0x66: {  	s26 =	smov.u32 s30;
	[sflag:s17] =	ssyncset.done $0x0  }
0x67: {  	s26 =	sadd.s32 s25, s15;
	[sflag:s17] =	ssyncadd.s32 $0xFFFFF800  }
0x68: {  	[tilespmem:s19], [sflag:$0x3] =	stream.linear.gather [hbm4b:s26+s3], $0x100, $0x38;
	[tilespmem:$0x3980] =	vst v63  }
0x69: {  	_ =	swait.ge [sflag:s17], $0x100  }
0x6a: {  	[sflag:s17] =	ssyncset.done $0x0  }
0x6b: {  	[sflag:s17] =	ssyncadd.s32 $0xFFFFFF00  }
0x6c: {  	[tilespmem:s20], [sflag:$0x2] =	stream.indirect.gather [hbm4b:s4+s18], $0x10, s19, s18, $0xb8;
	[tilespmem:$0x3980] =	vst v63  }
0x6d: {  	_ =	swait.ge [sflag:s21], $0x800  }
0x6e: {  	[sflag:s21] =	ssyncset.done $0x0  }
0x6f: {  	[sflag:s21] =	ssyncadd.s32 $0xFFFFF800  }
0x70: {  	[spmem:s1] =	stream.indirect.scatter.add.f32 [tilespmem:s16], [sflag:$0x3], $0x10, s18, s18, $0xb8;
	[tilespmem:$0x3980] =	vst v63  }
0x71: {  	_ =	swait.ge [sflag:s17], $0x800  }
0x72: {  	[sflag:s17] =	ssyncset.done $0x0  }
0x73: {  	s29 =	sadd.s32 s25, s14;
	[sflag:s17] =	ssyncadd.s32 $0xFFFFF800  }
0x74: {  	[tilespmem:s3], [sflag:$0x3] =	stream.linear.gather [hbm4b:s29+s3], $0x100, $0x38;
	[tilespmem:$0x3980] =	vst v63  }
0x75: {  	_ =	swait.ge [sflag:s17], $0x100  }
0x76: {  	[sflag:s17] =	ssyncset.done $0x0  }
0x77: {  	[sflag:s17] =	ssyncadd.s32 $0xFFFFFF00  }
0x78: {  	[tilespmem:s16], [sflag:$0x1] =	stream.indirect.gather [hbm4b:s4+s18], $0x10, s3, s18, $0xb8;
	[tilespmem:$0x3980] =	vst v63  }
0x79: {  	_ =	swait.ge [sflag:s22], $0x800  }
0x7a: {  	[sflag:s22] =	ssyncset.done $0x0  }
0x7b: {  	[sflag:s22] =	ssyncadd.s32 $0xFFFFF800  }
0x7c: {  	[spmem:s1] =	stream.indirect.scatter.add.f32 [tilespmem:s20], [sflag:$0x3], $0x10, s23, s18, $0xb8;
	[tilespmem:$0x3980] =	vst v63  }
0x7d: {  	_ =	swait.ge [sflag:s17], $0x800  }
0x7e: {  	[sflag:s17] =	ssyncset.done $0x0  }
0x7f: {  	[sflag:s17] =	ssyncadd.s32 $0xFFFFF800  }
0x80: {  	[tilespmem:s19], [sflag:$0x3] =	stream.linear.gather [hbm4b:s13+s3], $0x100, $0x38;
	[tilespmem:$0x3980] =	vst v63  }
0x81: {  	_ =	swait.ge [sflag:s17], $0x100  }
0x82: {  	[sflag:s17] =	ssyncset.done $0x0  }
0x83: {  	[sflag:s17] =	ssyncadd.s32 $0xFFFFFF00  }
0x84: {  	[tilespmem:s20], [sflag:$0x2] =	stream.indirect.gather [hbm4b:s4+s18], $0x10, s19, s18, $0xb8;
	[tilespmem:$0x3980] =	vst v63  }
0x85: {  	_ =	swait.ge [sflag:s21], $0x800  }
0x86: {  	[sflag:s21] =	ssyncset.done $0x0  }
0x87: {  	[sflag:s21] =	ssyncadd.s32 $0xFFFFF800  }
0x88: {  	[spmem:s1] =	stream.indirect.scatter.add.f32 [tilespmem:s16], [sflag:$0x3], $0x10, s18, s18, $0xb8;
	[tilespmem:$0x3980] =	vst v63  }
0x89: {  	_ =	swait.ge [sflag:s17], $0x800  }
0x8a: {  	[sflag:s17] =	ssyncset.done $0x0  }
0x8b: {  	[sflag:s17] =	ssyncadd.s32 $0xFFFFF800  }
0x8c: {  	_ =	swait.ge [sflag:s22], $0x800  }
0x8d: {  	[sflag:s22] =	ssyncset.done $0x0  }
0x8e: {  	[sflag:s22] =	ssyncadd.s32 $0xFFFFF800  }
0x8f: {  	[spmem:s1] =	stream.indirect.scatter.add.f32 [tilespmem:s20], [sflag:$0x3], $0x10, s23, s18, $0xb8;
	[tilespmem:$0x3980] =	vst v63  }
0x90: {  	_ =	swait.ge [sflag:s17], $0x800  }
0x91: {  	s30 =	sshll.u32 s2, $0x6;
	s24 =	sadd.s32 $0x1, s24;
	[sflag:s17] =	ssyncset.done $0x0  }
0x92: {  	s31 =	sshrl.u32 s5, $0x3;
	p0 =	sne.s32 s24, s12;
	[sflag:s17] =	ssyncadd.s32 $0xFFFFF800  }
.Ltmp2:
0x93: {  	s25 =	sor.u32 $0x1C03, s30;
	[bflag:$0x0] =	sbarrier.arrive $0xFFFF;
	(pc) =	sbr.rel @p0 .LBB2_1-.Ltmp2, $4  }
0x94: {  	[hbm:s11], [sflag:s25] =	dma.local [spmem:s31], $0x4F0  }
0x95: {  	_ =	swait.ge [sflag:s17], $0x4F0  }
0x96: {  	[sflag:s17] =	ssyncset.done $0x0  }
0x97: {  	[sflag:s17] =	ssyncadd.s32 $0xFFFFFB10  }
0x98: {  	_ =	sfence.sel $0x180000  }
0x99: {  	[bflag:$0x0] =	sbarrier.arrive $0xFFFF  }
0x9a: {  	p0 =	sne.s32 s2, $0x0;
	_ =	strace $0x90000047  }
0x9b: {  	s0 =	sadd.s32 @!p0 $0x100000, s0;
	[bflag:$0x2] =	sbarrier.arrive $0xFFFF  }
0x9c: {  	[sflag:s0] =	ssyncadd.tile.s32 @!p0 $0x1;
	_ =	shalt  }
.Lfunc_end2:
_tile_overlayer_lowered:
.L_overlay_start_2:
0x9d: {  	(tag) =	ssettag $0x2  }
0x9e: {  	s0 =	rddreg [dreg:$0x0];
	s2 =	stileid.u32  }
0x9f: {  	s1 =	rddreg [dreg:$0x1];
	p0 =	sne.s32 s2, $0x0  }
0xa0: {  	s3 =	rddreg [dreg:$0x2];
	[bflag:$0x3] =	sbarrier.arrive $0xFFFF;
	s2 =	simm.s32 @!p0 $0x1C03  }
0xa1: {  	[timem:s3], [sflag:s2] =	dma.local @!p0 [hbm:s0], s1  }
0xa2: {  	s0 =	simm.s32 @!p0 $0x3  }
0xa3: {  	_ =	swait.ge @!p0 [sflag:s0], s1  }
0xa4: {  	s1 =	ssub.s32 @!p0 $0x0, s1;
	[sflag:s0] =	ssyncset.done @!p0 $0x0  }
0xa5: {  	[sflag:s0] =	ssyncadd.s32 @!p0 s1  }
0xa6: {  	[bflag:$0x3] =	sbarrier.arrive $0xFFFF  }
0xa7: {  	_ =	shalt  }

</sc_bundles>
